<compile_context>
chip_gen: v7x
topology: tpu7x:2x2x1
jax: 0.10.2.dev20260603
libtpu: 0.0.44.dev20260713+nightly
codegen_flags: <defaults>
</compile_context>

<pallas_src>
import numpy as np
import jax
import jax.numpy as jnp
from jax.experimental import pallas as pl

SR = 44100
N_FFT = 2048
HOP = 1024
N_BINS = N_FFT // 2 + 1
FRAME_BLOCK = 256


def _a_weight_curve_np():
    freqs = np.fft.rfftfreq(N_FFT, 1.0 / SR).astype(np.float32)
    f2 = freqs * freqs
    c1 = np.float32(20.6 ** 2)
    c2 = np.float32(107.7 ** 2)
    c3 = np.float32(737.9 ** 2)
    c4 = np.float32(12194.0 ** 2)
    num = c4 * f2 * f2
    den = (f2 + c1) * np.sqrt((f2 + c2) * (f2 + c3)) * (f2 + c4)
    return num / np.maximum(den, np.float32(1e-12))


def _dft_tables_np():
    n = np.arange(N_FFT, dtype=np.float64)[:, None]
    k = np.arange(N_BINS, dtype=np.float64)[None, :]
    ang = 2.0 * np.pi * n * k / N_FFT
    ra = _a_weight_curve_np().astype(np.float64)[None, :]
    cos_t = (np.cos(ang) * ra).astype(jnp.bfloat16)
    sin_t = (np.sin(ang) * ra).astype(jnp.bfloat16)
    return cos_t, sin_t


_COS_T, _SIN_T = _dft_tables_np()


def _stft_block(x_ref, cache_ref, w_ref, c_ref, s_ref, o_ref):
    j = pl.program_id(1)
    hi = x_ref[0, pl.ds(j * FRAME_BLOCK, FRAME_BLOCK), :]
    prev = jnp.where(
        j == 0,
        cache_ref[0, 0, :],
        x_ref[0, jnp.maximum(j * FRAME_BLOCK - 1, 0), :],
    )
    lo = jnp.concatenate([prev[None, :], hi[:-1, :]], axis=0)
    frames = jnp.concatenate([lo, hi], axis=1)
    frames = (frames * w_ref[0, :][None, :]).astype(jnp.bfloat16)
    re = jax.lax.dot_general(
        frames, c_ref[...], (((1,), (0,)), ((), ())),
        preferred_element_type=jnp.float32)
    im = jax.lax.dot_general(
        frames, s_ref[...], (((1,), (0,)), ((), ())),
        preferred_element_type=jnp.float32)
    o_ref[0] = re * re + im * im


def kernel(x, cache, window):
    n_ch, n_samples = x.shape
    n_rows = n_samples // HOP
    n_frames = (n_samples + cache.shape[1] - N_FFT) // HOP + 1
    x3 = x.reshape(n_ch, n_rows, HOP)
    cache3 = cache.reshape(n_ch, 1, HOP)
    win2d = window.reshape(1, N_FFT)
    cos_t = jnp.asarray(_COS_T)
    sin_t = jnp.asarray(_SIN_T)

    grid = (n_ch, n_frames // FRAME_BLOCK)
    out = pl.pallas_call(
        _stft_block,
        grid=grid,
        in_specs=[
            pl.BlockSpec((1, n_rows, HOP), lambda c, j: (c, 0, 0)),
            pl.BlockSpec((1, 1, HOP), lambda c, j: (c, 0, 0)),
            pl.BlockSpec((1, N_FFT), lambda c, j: (0, 0)),
            pl.BlockSpec((N_FFT, N_BINS), lambda c, j: (0, 0)),
            pl.BlockSpec((N_FFT, N_BINS), lambda c, j: (0, 0)),
        ],
        out_specs=pl.BlockSpec((1, FRAME_BLOCK, N_BINS), lambda c, j: (c, j, 0)),
        out_shape=jax.ShapeDtypeStruct((n_ch, n_frames, N_BINS), jnp.float32),
    )(x3, cache3, win2d, cos_t, sin_t)
    return out

# --- scband reference (transcript-rebuilt; emitter-appended) ---
"""Pipeline reference for scband-cached-a-weight-52158082842967 (READ-ONLY COPY).

The authoritative reference and input builder live on the scoring server;
editing this copy changes nothing except your own understanding.
"""

import jax, jax.numpy as jnp
import numpy as np

SR = 44100
N_CH = 8
N_FFT = 2048
HOP = 1024
N_SAMPLES = 1048576


def _hann_window(n):
    # torch.hann_window(periodic=True): 0.5 * (1 - cos(2*pi*k / n))
    k = jnp.arange(n, dtype=jnp.float32)
    return 0.5 * (1.0 - jnp.cos(2.0 * jnp.pi * k / n))


def setup_inputs(seed: int = 0) -> dict:
    key = jax.random.key(seed)
    x = jax.random.normal(key, (N_CH, N_SAMPLES), dtype=jnp.float32)
    # circular-queue cache of past samples; zero-initialized (center padding of n_fft//2 folded into overlap cache)
    cache = jnp.zeros((N_CH, N_FFT - HOP), dtype=jnp.float32)
    window = _hann_window(N_FFT)
    return {"x": x, "cache": cache, "window": window}


def _a_weight_curve(n_fft, sr):
    freqs = jnp.fft.rfftfreq(n_fft, 1.0 / sr).astype(jnp.float32)
    f2 = freqs * freqs
    c1 = 20.6 ** 2
    c2 = 107.7 ** 2
    c3 = 737.9 ** 2
    c4 = 12194.0 ** 2
    num = c4 * f2 * f2
    den = (f2 + c1) * jnp.sqrt((f2 + c2) * (f2 + c3)) * (f2 + c4)
    ra = num / jnp.maximum(den, 1e-12)
    return ra


def reference(x, cache, window):
    # streaming: prepend cached overlap samples (queue contents), then frame
    padded = jnp.concatenate([cache, x], axis=1)  # [C, cache + n_samples]
    total = padded.shape[1]
    n_frames = (total - N_FFT) // HOP + 1
    # gather frames (memory-bound strided gather, same data movement as queue fill/pop)
    idx = jnp.arange(n_frames)[:, None] * HOP + jnp.arange(N_FFT)[None, :]
    frames = jnp.take(padded, idx, axis=1)  # [C, F, N_FFT]
    windowed = frames * window[None, None, :]
    spec = jnp.fft.rfft(windowed, axis=-1)
    power = spec.real ** 2 + spec.imag ** 2  # power = 2.0
    ra = _a_weight_curve(N_FFT, SR)
    # A-weighting applied in the power domain (amplitude weight squared)
    out = power * (ra * ra)[None, None, :]
    return out


if False:  # reference __main__ guard neutralized (emitter)
    inp = setup_inputs()
    o = reference(**inp)
    print(o.shape, o.dtype)

if __name__ == "__main__":
    import jax
    _d = setup_inputs()
    print(jax.jit(kernel)(*tuple(_d.values())))

</pallas_src>

<mosaic_0001>
module attributes {stable_mosaic.version = 14 : i64} {
  func.func @_stft_block(%arg0: i32, %arg1: i32, %arg2: memref<1x1024x1024xf32, #tpu.memory_space<vmem>>, %arg3: memref<1x1x1024xf32, #tpu.memory_space<vmem>>, %arg4: memref<1x2048xf32, #tpu.memory_space<vmem>>, %arg5: memref<2048x1025xbf16, #tpu.memory_space<vmem>>, %arg6: memref<2048x1025xbf16, #tpu.memory_space<vmem>>, %arg7: memref<1x256x1025xf32, #tpu.memory_space<vmem>>) attributes {dimension_semantics = [#tpu.dimension_semantics<arbitrary>, #tpu.dimension_semantics<arbitrary>], iteration_bounds = array<i64: 8, 4>, scalar_prefetch = 0 : i64, scratch_operands = 0 : i64, tpu.core_type = #tpu.core_type<tc>, window_params = [{transform_indices = @transform_0, window_bounds = array<i64: 1, 1024, 1024>}, {transform_indices = @transform_1, window_bounds = array<i64: 1, 1, 1024>}, {pipeline_mode = #tpu.pipeline_mode<synchronous>, transform_indices = @transform_2, window_bounds = array<i64: 1, 2048>}, {pipeline_mode = #tpu.pipeline_mode<synchronous>, transform_indices = @transform_3, window_bounds = array<i64: 2048, 1025>}, {pipeline_mode = #tpu.pipeline_mode<synchronous>, transform_indices = @transform_4, window_bounds = array<i64: 2048, 1025>}, {transform_indices = @transform_5, window_bounds = array<i64: 1, 256, 1025>}]} {
    %mul3A = arith.constant 256 : i32
    %mul3A_0 = arith.muli %arg1, %mul3A : i32
    %get3A = arith.constant 0 : index
    %get3A_1 = arith.index_cast %mul3A_0 : i32 to index
    %get3A_2 = arith.constant 0 : index
    %get3A_3 = vector.load %arg2[%get3A, %get3A_1, %get3A_2] : memref<1x1024x1024xf32, #tpu.memory_space<vmem>>, vector<1x256x1024xf32>
    %get3A_4 = vector.shape_cast %get3A_3 : vector<1x256x1024xf32> to vector<256x1024xf32>
    %eq3A = arith.constant 0 : i32
    %eq3A_5 = arith.cmpi eq, %arg1, %eq3A : i32
    %get3A_6 = arith.constant 0 : index
    %get3A_7 = arith.constant 0 : index
    %get3A_8 = arith.constant 0 : index
    %get3A_9 = vector.load %arg3[%get3A_6, %get3A_7, %get3A_8] : memref<1x1x1024xf32, #tpu.memory_space<vmem>>, vector<1x1x1024xf32>
    %get3A_10 = vector.shape_cast %get3A_9 : vector<1x1x1024xf32> to vector<1024xf32>
    %mul3A_11 = arith.constant 256 : i32
    %mul3A_12 = arith.muli %arg1, %mul3A_11 : i32
    %sub3A = arith.constant 1 : i32
    %sub3A_13 = arith.subi %mul3A_12, %sub3A : i32
    %max3A = arith.constant 0 : i32
    %max3A_14 = arith.maxsi %sub3A_13, %max3A : i32
    %get3A_15 = arith.constant 0 : index
    %get3A_16 = arith.index_cast %max3A_14 : i32 to index
    %get3A_17 = arith.constant 0 : index
    %get3A_18 = vector.load %arg2[%get3A_15, %get3A_16, %get3A_17] : memref<1x1024x1024xf32, #tpu.memory_space<vmem>>, vector<1x1x1024xf32>
    %get3A_19 = vector.shape_cast %get3A_18 : vector<1x1x1024xf32> to vector<1024xf32>
    %select_n3A = arith.select %eq3A_5, %get3A_10, %get3A_19 : vector<1024xf32>
    %broadcast_in_dim3A = vector.shape_cast %select_n3A : vector<1024xf32> to vector<1x1024xf32>
    %slice3A = vector.extract_strided_slice %get3A_4 {offsets = [0, 0], sizes = [255, 1024], strides = [1, 1]} : vector<256x1024xf32> to vector<255x1024xf32>
    %concatenate3A = tpu.concatenate %broadcast_in_dim3A, %slice3A in 0 : vector<1x1024xf32>, vector<255x1024xf32> -> vector<256x1024xf32>
    %concatenate3A_20 = tpu.concatenate %concatenate3A, %get3A_4 in 1 : vector<256x1024xf32>, vector<256x1024xf32> -> vector<256x2048xf32>
    %get3A_21 = arith.constant 0 : index
    %get3A_22 = arith.constant 0 : index
    %get3A_23 = vector.load %arg4[%get3A_21, %get3A_22] : memref<1x2048xf32, #tpu.memory_space<vmem>>, vector<1x2048xf32>
    %get3A_24 = vector.shape_cast %get3A_23 : vector<1x2048xf32> to vector<2048xf32>
    %broadcast_in_dim3A_25 = vector.shape_cast %get3A_24 : vector<2048xf32> to vector<1x2048xf32>
    %mul3A_26 = vector.broadcast %broadcast_in_dim3A_25 : vector<1x2048xf32> to vector<256x2048xf32>
    %mul3A_27 = arith.mulf %concatenate3A_20, %mul3A_26 : vector<256x2048xf32>
    %convert_element_type3A = arith.truncf %mul3A_27 : vector<256x2048xf32> to vector<256x2048xbf16>
    %get3A_28 = arith.constant 0 : index
    %get3A_29 = arith.constant 0 : index
    %get3A_30 = vector.load %arg5[%get3A_28, %get3A_29] : memref<2048x1025xbf16, #tpu.memory_space<vmem>>, vector<2048x1025xbf16>
    %dot_general3A = arith.constant dense<0.000000e+00> : vector<256x1025xf32>
    %dot_general3A_31 = tpu.matmul %convert_element_type3A, %get3A_30, %dot_general3A {dimension_numbers = #tpu.dot_dimension_numbers<[1], [0], [0], [1], [0, 0, 1, 1], [], []>, transpose_lhs_hint = false} : vector<256x2048xbf16>, vector<2048x1025xbf16>, vector<256x1025xf32> -> vector<256x1025xf32>
    %get3A_32 = arith.constant 0 : index
    %get3A_33 = arith.constant 0 : index
    %get3A_34 = vector.load %arg6[%get3A_32, %get3A_33] : memref<2048x1025xbf16, #tpu.memory_space<vmem>>, vector<2048x1025xbf16>
    %dot_general3A_35 = arith.constant dense<0.000000e+00> : vector<256x1025xf32>
    %dot_general3A_36 = tpu.matmul %convert_element_type3A, %get3A_34, %dot_general3A_35 {dimension_numbers = #tpu.dot_dimension_numbers<[1], [0], [0], [1], [0, 0, 1, 1], [], []>, transpose_lhs_hint = false} : vector<256x2048xbf16>, vector<2048x1025xbf16>, vector<256x1025xf32> -> vector<256x1025xf32>
    %mul3A_37 = arith.mulf %dot_general3A_31, %dot_general3A_31 : vector<256x1025xf32>
    %mul3A_38 = arith.mulf %dot_general3A_36, %dot_general3A_36 : vector<256x1025xf32>
    %add3A = arith.addf %mul3A_37, %mul3A_38 : vector<256x1025xf32>
    %swap3A = arith.constant 0 : index
    %swap3A_39 = arith.constant 0 : index
    %swap3A_40 = arith.constant 0 : index
    %swap3A_41 = vector.load %arg7[%swap3A, %swap3A_39, %swap3A_40] : memref<1x256x1025xf32, #tpu.memory_space<vmem>>, vector<1x256x1025xf32>
    %swap3A_42 = vector.shape_cast %swap3A_41 : vector<1x256x1025xf32> to vector<256x1025xf32>
    %swap3A_43 = vector.shape_cast %add3A : vector<256x1025xf32> to vector<1x256x1025xf32>
    tpu.vector_store %arg7[%swap3A, %swap3A_39, %swap3A_40], %swap3A_43 {strides = array<i32>} : memref<1x256x1025xf32, #tpu.memory_space<vmem>>, vector<1x256x1025xf32>,
    return
  }
  func.func @transform_0(%arg0: i32, %arg1: i32) -> (i32, i32, i32) {
    %c0_i32 = arith.constant 0 : i32
    %c0_i32_0 = arith.constant 0 : i32
    %c0_i32_1 = arith.constant 0 : i32
    return %arg0, %c0_i32, %c0_i32_0 : i32, i32, i32
  }
  func.func @transform_1(%arg0: i32, %arg1: i32) -> (i32, i32, i32) {
    %c0_i32 = arith.constant 0 : i32
    %c0_i32_0 = arith.constant 0 : i32
    %c0_i32_1 = arith.constant 0 : i32
    return %arg0, %c0_i32, %c0_i32_0 : i32, i32, i32
  }
  func.func @transform_2(%arg0: i32, %arg1: i32) -> (i32, i32) {
    %c0_i32 = arith.constant 0 : i32
    %c0_i32_0 = arith.constant 0 : i32
    %c0_i32_1 = arith.constant 0 : i32
    return %c0_i32, %c0_i32_0 : i32, i32
  }
  func.func @transform_3(%arg0: i32, %arg1: i32) -> (i32, i32) {
    %c0_i32 = arith.constant 0 : i32
    %c0_i32_0 = arith.constant 0 : i32
    %c0_i32_1 = arith.constant 0 : i32
    return %c0_i32, %c0_i32_0 : i32, i32
  }
  func.func @transform_4(%arg0: i32, %arg1: i32) -> (i32, i32) {
    %c0_i32 = arith.constant 0 : i32
    %c0_i32_0 = arith.constant 0 : i32
    %c0_i32_1 = arith.constant 0 : i32
    return %c0_i32, %c0_i32_0 : i32, i32
  }
  func.func @transform_5(%arg0: i32, %arg1: i32) -> (i32, i32, i32) {
    %c0_i32 = arith.constant 0 : i32
    %c0_i32_0 = arith.constant 0 : i32
    return %arg0, %arg1, %c0_i32 : i32, i32, i32
  }
}

</mosaic_0001>

<sc_bundles>
// kernel: sparse-core-data-format-call.cloned.1.call-start
scs
called_computation_lowered:
.L_overlay_start_0:
0x0: {  	s2 =	sld [smem:$0x3FD9]  }
0x1: {  	s3 =	sld [smem:$0x3FFE];
	_ =	sdelay $0x1  }
0x2: {  	s1 =	srdreg.scid  }
0x3: {  	s0 =	sand.u32 $0x1, s1  }
0x4: {  	s19 =	sshll.u32 s0, $0xA;
	s2 =	sadd.s32 s3, s2  }
0x5: {  	s2 =	sadd.s32 s2, s19  }
0x6: {  	[smem:$0x3FC5] =	sst s2  }
0x7: {  	_ = 	snop  }
0x8: {  	s2 =	sld [smem:$0x3FC9]  }
0x9: {  	s20 =	sld [smem:$0x3FD0];
	(tm) =	ssettm $0x1  }
0xa: {  	s4 =	sld [smem:$0x3FFB];
	_ =	sdelay $0x3  }
0xb: {  	_ =	strace s4  }
0xc: {  	s4 =	sld [smem:$0x3FFC];
	_ =	sdelay $0x3  }
0xd: {  	_ =	strace s4  }
0xe: {  	s4 =	sld [smem:$0x3FFD];
	_ =	sdelay $0x3  }
0xf: {  	_ =	strace s4  }
0x10: {  	_ =	strace $0x8FFFFFFF  }
0x11: {  	s21 =	sld [smem:$0x3FDB];
	_ =	sdelay $0x1  }
0x12: {  	s5 =	simm.s32 $_scs_section_size  }
0x13: {  	s6 =	simm.s32 $_size__tile_overlayer_lowered;
	s7 =	simm.s32 $_tile_overlayer_lowered  }
0x14: {  	s24 =	simm.s32 $0x1BFF;
	s23 =	sshll.u32 s7, $0x1;
	s4 =	sadd.s32 s5, s21  }
0x15: {  	s8 =	simm.s32 $0x0;
	s22 =	sshll.u32 s6, $0x1;
	s6 =	sadd.s32 s23, s4  }
0x16: {  	[timem:s8], [sflag:s24] =	dma.local [hbm:s6], s22  }
0x17: {  	_ =	swait.ge [sflag:s24], s22  }
0x18: {  	s5 =	ssub.s32 $0x0, s22;
	[sflag:s24] =	ssyncset.done $0x0  }
0x19: {  	[sflag:s24] =	ssyncadd.s32 s5;
	_ =	sdelay $0x1  }
0x1a: {  	s25 =	simm.s32 $0x1B8B  }
0x1b: {  	_ =	swait.ge [sflag:s25], $0x1  }
0x1c: {  	[sflag:s25] =	ssyncset.done $0x0  }
0x1d: {  	s26 =	simm.s32 $0x1B8E;
	[sflag:s25] =	ssyncadd.s32 $0xFFFFFFFF  }
0x1e: {  	s27 =	simm.s32 $execute0_lowered;
	[smem:$0x3FD2] =	sst s26  }
0x1f: {  	s5 =	sshll.u32 s27, $0x1;
	_ =	strace $0x80000046;
	[dreg:$0x1] =	wrdreg $0xFFFFFFFF  }
0x20: {  	s28 =	simm.s32 $_size_execute0_lowered;
	s4 =	sadd.s32 s4, s5;
	[dreg:$0x0] =	wrdreg $0x0  }
0x21: {  	s5 =	sshll.u32 s28, $0x1;
	[dreg:$0x2] =	wrdreg s4  }
0x22: {  	[dreg:$0x3] =	wrdreg s5  }
0x23: {  	[dreg:$0x4] =	wrdreg $0xC0  }
0x24: {  	_ =	task [dreg:s8], $0x5FFFF  }
0x25: {  	[dreg:$0x1] =	wrdreg $0xFFFFFFFF  }
0x26: {  	[dreg:$0x0] =	wrdreg $0x60  }
0x27: {  	[dreg:$0x2] =	wrdreg s2  }
0x28: {  	[dreg:$0x3] =	wrdreg s20  }
0x29: {  	[dreg:$0x4] =	wrdreg $0x9  }
0x2a: {  	_ =	task.clear_ibuf [dreg:s8], $0x5FFFF;
	_ =	strace $0x90000046  }
0x2b: {  	s29 =	simm.s32 $0x9;
	_ =	strace $0x80000048  }
0x2c: {  	_ =	swait.ge [sflag:s29], $0x1  }
0x2d: {  	[sflag:s29] =	ssyncadd.s32 $0xFFFFFFFF  }
0x2e: {  	_ =	strace $0x90000048  }
0x2f: {  	_ =	sfence  }
0x30: {  	s30 =	sld [smem:$0x0];
	_ =	sdelay $0x2  }
0x31: {  	s31 =	sshll.u32 s1, $0xD;
	s1 =	sshrl.u32 s1, $0x2  }
0x32: {  	s3 =	sand.u32 $0x4000, s31;
	s1 =	sadd.s32 s1, s30  }
0x33: {  	s0 =	sor.u32 s3, s0;
	s1 =	sshll.u32 s1, $0x11  }
0x34: {  	s0 =	sor.u32 s1, s0  }
0x35: {  	s0 =	sadd.s32 $0x8F2B, s0  }
0x36: {  	[sflag:s0] =	ssyncadd.remote.s32 $0x1  }
0x37: {  	_ =	sfence.sel $0xFFFF  }
0x38: {  	[dreg:$0x0] =	wrdreg $0xFFFFFFFF;
	(pc) =	sbr.abs _section_cstart, $3  }
0x39: {  	[dreg:$0x1] =	wrdreg $0xFFFFFFFF  }
0x3a: {  	_ =	task.clear_ibuf [dreg:s8], $0x2FFFF;
	_ =	strace $0x9FFFFFFF  }
0x3b: {  	(tm) =	ssettm $0x7FFFFFFF  }
tec
execute0_lowered:
.L_overlay_start_1:
0x0: {  	(tag) =	ssettag $0x1  }
0x1: {  	s0 =	srdreg.scid;
	s2 =	rddreg [dreg:$0x0]  }
0x2: {  	s4 =	rddreg [dreg:$0x1];
	s1 =	sshll.u32 s0, $0x4  }
0x3: {  	s7 =	simm.s32 $0x1;
	s0 =	stileid.u32;
	s1 =	sand.u32 $0x10, s1  }
0x4: {  	s8 =	simm.s32 $0x2;
	s14 =	simm.s32 $0x0;
	s1 =	sor.u32 s0, s1  }
0x5: {  	s9 =	simm.s32 $0x0;
	s15 =	simm.s32 $0x0;
	s3 =	sshll.u32 s1, $0x3  }
0x6: {  	s16 =	simm.s32 $0x0;
	s10 =	simm.s32 $0x0;
	s6 =	ssub.s32 $0x400, s3  }
0x7: {  	s11 =	simm.s32 $0x0;
	s13 =	simm.s32 $0x0;
	s5 =	sand.u32 $0xF8, s6  }
.Ltmp0:
0x8: {  	s22 =	simm.s32 $0x0;
	p0 =	sne.s32 s5, $0x0;
	(pc) =	sbr.rel .LBB1_1-.Ltmp0, $4  }
0x9: {  	s1 =	rddreg [dreg:$0x2];
	s6 =	sshrl.u32 s6, $0x8;
	s7 =	simm.s32 @!p0 $0x0  }
0xa: {  	_ =	strace $0x80000047;
	s5 =	simm.s32 $0x1;
	s6 =	sadd.s32 s7, s6  }
0xb: {  	s12 =	smov.u32 s3;
	[sflag:s5] =	ssyncpa.u1 $0x0;
	s6 =	sshll.u32 s6, $0x2  }
0xc: {  	[sflag:s8] =	ssyncpa.u1 $0x0;
	s8 =	simm.s32 $0x100000;
	s7 =	sor.u32 $0x1, s6  }
.LBB1_7:
0xd: {  	s17 =	sadd.s32 $0x100, s10  }
0xe: {  	s14 =	sadd.s32 $0x8, s11;
	s18 =	smov.u32 s11;
	p1 =	sgt.s32 s17, $0x3FF  }
0xf: {  	s18 =	smov.u32 @p1 s14  }
0x10: {  	s20 =	smov.u32 s12;
	s14 =	sadd.s32 $0x100, s12;
	p2 =	sgt.s32 s18, $0x7  }
0x11: {  	s20 =	smov.u32 @p2 s14  }
0x12: {  	s17 =	simm.s32 @p1 $0x0;
	p1 =	sgt.s32 s20, $0x3FF  }
0x13: {  	p0 =	slt.u32 s13, $0x2;
	s20 =	smov.u32 @p1 s3;
	p1 =	sne.s32 s13, s7  }
.Ltmp1:
0x14: {  	s19 =	simm.s32 @!p0 $0x2;
	(pc) =	sbr.rel @!p1 .LBB1_8-.Ltmp1, $4  }
0x15: {  	s15 =	smov.u32 s11;
	s16 =	smov.u32 s12;
	_ =	swait.ge @!p0 [sflag:s19], $0x4000  }
0x16: {  	s9 =	sadd.s32 $0x4000, s9;
	[sflag:s19] =	ssyncset.done @!p0 $0x0;
	s18 =	simm.s32 @p2 $0x0  }
0x17: {  	s14 =	smov.u32 s10;
	[sflag:s19] =	ssyncadd.s32 @!p0 $0xFFFFC000;
	s10 =	smov.u32 s17  }
0x18: {  	s11 =	smov.u32 s18;
	s13 =	sadd.s32 $0x1, s13;
	s12 =	smov.u32 s20  }
.LBB1_1:
0x19: {  	p0 =	sge.u32 s13, s6  }
0x1a: {  	s31 =	sadd.s32 $0xFFFFFFFF, s13;
	s17 =	sxor.u32 @!p0 $0xFFFFFFFF, s13;
	s18 =	sshll.u32 @!p0 s11, $0x7  }
0x1b: {  	s19 =	sand.u32 @!p0 $0x78, s10;
	s20 =	sshll.u32 @!p0 s12, $0xA;
	s18 =	sand.u32 @!p0 $0x380, s18  }
0x1c: {  	s20 =	sadd.s32 @!p0 s2, s20;
	s18 =	sor.u32 @!p0 s19, s18;
	s19 =	sand.u32 @!p0 $0x380, s10  }
0x1d: {  	s17 =	sshll.u32 @!p0 s17, $0xE;
	s19 =	sadd.s32 @!p0 s19, s20;
	s20 =	sand.u32 @!p0 $0x7, s10  }
0x1e: {  	s17 =	sand.u32 @!p0 $0x4000, s17;
	s18 =	sshrl.u32 @!p0 s18, $0x3;
	s20 =	sshll.u32 @!p0 s20, $0x12  }
0x1f: {  	s18 =	sadd.s32 @!p0 s18, s19;
	s19 =	sor.u32 @!p0 $0x800, s20;
	s20 =	simm.s32 @!p0 $0x2000  }
0x20: {  	[tilespmem:s17], [sflag:$0x1] =	stream.strided.gather @!p0 [hbm4b:s18+s19], $0x4000, s20, s19, $0x38;
	[tilespmem:$0x10000] =	vst v63  }
0x21: {  	p0 =	sge.u32 s31, s6  }
.Ltmp2:
0x22: {  	_ = 	snop;
	(pc) =	sbr.rel @p0 .LBB1_7-.Ltmp2, $1  }
0x23: {  	_ =	sdelay $0x3  }
0x24: {  	s17 =	sshll.u32 s9, $0x2;
	_ =	swait.ge [sflag:s5], $0x4000;
	s31 =	sshll.u32 s13, $0xE  }
0x25: {  	p0 =	por $0x0, $0x0;
	s23 =	simm.s32 $0x0;
	s24 =	simm.s32 $0x0  }
0x26: {  	s17 =	sand.u32 $0x10000, s17;
	[sflag:s5] =	ssyncset.done $0x0;
	s20 =	sand.u32 $0x4000, s31  }
0x27: {  	s21 =	sshrl.u32 s17, $0x2;
	[sflag:s5] =	ssyncadd.s32 $0xFFFFC000;
	s17 =	sor.u32 $0x8000, s20  }
0x28: {  	s18 =	sor.u32 $0x40, s21;
	s19 =	sor.u32 $0x8410, s21;
	s21 =	sadd.s32 $0x8400, s21  }
.LBB1_3:
0x29: {  	v1 =	vld [tilespmem:s18+$0xFFFFFFD0]  }
0x2a: {  	v2 =	vld [tilespmem:s18+$0x430]  }
0x2b: {  	s25 =	sshll.u32 s24, $0xB;
	v4 =	vld [tilespmem:s18+$0xFFFFFFE0]  }
0x2c: {  	v7 =	vld [tilespmem:s18+$0xFFFFFFF0];
	v0 =	vmov s25  }
0x2d: {  	v8 =	vld [tilespmem:s18+$0x0]  }
0x2e: {  	s31 =	sand.u32 $0x300, s22;
	v9 =	vld [tilespmem:s18+$0x10]  }
0x2f: {  	s26 =	sand.u32 $0x80, s22;
	v10 =	vld [tilespmem:s18+$0x20];
	s25 =	sadd.s32 s31, s20  }
0x30: {  	v11 =	vld [tilespmem:s18+$0x30];
	s25 =	sadd.s32 s26, s25;
	s26 =	simm.s32 $0x1;
	[tilespmem:s19+$0x60] =	vst v2  }
0x31: {  	s31 =	sshll.u32 s23, $0x2;
	s26 =	simm.s32 @!p0 $0x0;
	[tilespmem:s19+$0xFFFFFC00] =	vst v1;
	v3 =	vld.idx.msk [tilespmem:v0+s25+$0x400 ss:$0x1], $0xffff  }
0x32: {  	v6 =	vld [tilespmem:s18+$0x3D0];
	s26 =	sshll.u32 s26, $0x9;
	[tilespmem:s19+$0xFFFFFC10] =	vst v4;
	s25 =	sand.u32 $0xFFFFFC00, s31  }
0x33: {  	v5 =	vld [tilespmem:s18+$0x3E0];
	[tilespmem:s19+$0xFFFFFC20] =	vst v7;
	s25 =	sor.u32 s26, s25  }
0x34: {  	[tilespmem:s19+$0xFFFFFC30] =	vst v8;
	v4 =	vld [tilespmem:s18+$0x400];
	s25 =	sshrl.u32 s25, $0x2  }
0x35: {  	[tilespmem:s19+$0xFFFFFC40] =	vst v9;
	v1 =	vld [tilespmem:s18+$0x410];
	s25 =	sadd.s32 s25, s21  }
0x36: {  	[tilespmem:s25+$0x0] =	vst v3;
	v3 =	vld [tilespmem:s18+$0x3F0]  }
0x37: {  	s29 =	simm.s32 $0x80;
	s28 =	simm.s32 $0x100;
	[tilespmem:s19+$0xFFFFFC50] =	vst v10;
	v2 =	vld [tilespmem:s18+$0x420]  }
0x38: {  	s27 =	smov.u32 s19;
	s30 =	sand.u32 $0x300, s29;
	v7 =	vld [tilespmem:s18+$0xFFFFFFC0];
	[tilespmem:s19+$0xFFFFFC60] =	vst v11;
	s26 =	sadd.s32 $0x80, s18  }
.LBB1_4:
0x39: {  	p1 =	sne.s32 s28, $0x380;
	v8 =	vld [tilespmem:s26+$0xFFFFFFD0];
	s29 =	sand.u32 $0x80, s29;
	s30 =	sadd.s32 s30, s20;
	[tilespmem:s27+$0x0] =	vst v6  }
0x3a: {  	s30 =	sadd.s32 s29, s30;
	v6 =	vld [tilespmem:s26+$0x430];
	[tilespmem:s27+$0x10] =	vst v5;
	s29 =	smov.u32 s28  }
0x3b: {  	v5 =	vld.idx.msk [tilespmem:v0+s30+$0x400 ss:$0x1], $0xffff;
	[tilespmem:s27+$0x20] =	vst v3  }
0x3c: {  	v3 =	vld [tilespmem:s26+$0xFFFFFFE0];
	[tilespmem:s27+$0x30] =	vst v4  }
0x3d: {  	v4 =	vld [tilespmem:s26+$0xFFFFFFF0];
	[tilespmem:s27+$0xFFFFFBF0] =	vst v7  }
0x3e: {  	v7 =	vld [tilespmem:s26+$0x0];
	[tilespmem:s27+$0x40] =	vst v1  }
0x3f: {  	v1 =	vld [tilespmem:s26+$0x10];
	[tilespmem:s27+$0x50] =	vst v2;
	s27 =	sadd.s32 $0x800, s27  }
0x40: {  	s25 =	sadd.s32 $0x800, s25;
	v2 =	vld [tilespmem:s26+$0x20];
	[tilespmem:s27+$0x60] =	vst v6  }
0x41: {  	v9 =	vld [tilespmem:s26+$0x30];
	[tilespmem:s25+$0x0] =	vst v5  }
0x42: {  	[tilespmem:s27+$0xFFFFFC00] =	vst v8;
	v6 =	vld [tilespmem:s26+$0x3D0]  }
0x43: {  	[tilespmem:s27+$0xFFFFFC10] =	vst v3;
	v5 =	vld [tilespmem:s26+$0x3E0]  }
.Ltmp3:
0x44: {  	[tilespmem:s27+$0xFFFFFC20] =	vst v4;
	v3 =	vld [tilespmem:s26+$0x3F0];
	(pc) =	sbr.rel @p1 .LBB1_4-.Ltmp3, $4  }
0x45: {  	[tilespmem:s27+$0xFFFFFC30] =	vst v7;
	v4 =	vld [tilespmem:s26+$0x400]  }
0x46: {  	[tilespmem:s27+$0xFFFFFC40] =	vst v1;
	v1 =	vld [tilespmem:s26+$0x410]  }
0x47: {  	[tilespmem:s27+$0xFFFFFC50] =	vst v2;
	v2 =	vld [tilespmem:s26+$0x420]  }
0x48: {  	s28 =	sadd.s32 $0x80, s28;
	s30 =	sand.u32 $0x300, s29;
	v7 =	vld [tilespmem:s26+$0xFFFFFFC0];
	[tilespmem:s27+$0xFFFFFC60] =	vst v9;
	s26 =	sadd.s32 $0x80, s26  }
0x49: {  	[tilespmem:s27+$0x0] =	vst v6  }
0x4a: {  	[tilespmem:s27+$0x10] =	vst v5  }
0x4b: {  	v49 =	vld [tilespmem:s26+$0x430];
	[tilespmem:s27+$0x20] =	vst v3  }
0x4c: {  	v50 =	vld [tilespmem:s26+$0xFFFFFFD0];
	[tilespmem:s27+$0x30] =	vst v4  }
0x4d: {  	v51 =	vld [tilespmem:s26+$0xFFFFFFE0];
	[tilespmem:s27+$0x40] =	vst v1  }
0x4e: {  	v52 =	vld [tilespmem:s26+$0xFFFFFFF0];
	[tilespmem:s27+$0x50] =	vst v2  }
0x4f: {  	s31 =	sadd.s32 $0x800, s27;
	v53 =	vld [tilespmem:s26+$0x0];
	[tilespmem:s27+$0xFFFFFBF0] =	vst v7  }
0x50: {  	v54 =	vld [tilespmem:s26+$0x10];
	[tilespmem:s31+$0x60] =	vst v49  }
0x51: {  	v55 =	vld [tilespmem:s26+$0x20];
	[tilespmem:s31+$0xFFFFFC00] =	vst v50  }
0x52: {  	v56 =	vld [tilespmem:s26+$0x30];
	[tilespmem:s31+$0xFFFFFC10] =	vst v51  }
0x53: {  	v57 =	vld [tilespmem:s26+$0x3D0];
	[tilespmem:s31+$0xFFFFFC20] =	vst v52  }
0x54: {  	v58 =	vld [tilespmem:s26+$0x3E0];
	[tilespmem:s31+$0xFFFFFC30] =	vst v53  }
0x55: {  	v59 =	vld [tilespmem:s26+$0x3F0];
	[tilespmem:s31+$0xFFFFFC40] =	vst v54  }
0x56: {  	v60 =	vld [tilespmem:s26+$0x400];
	[tilespmem:s31+$0xFFFFFC50] =	vst v55  }
0x57: {  	v61 =	vld [tilespmem:s26+$0xFFFFFFC0];
	[tilespmem:s31+$0xFFFFFC60] =	vst v56  }
0x58: {  	s28 =	sand.u32 $0x80, s29;
	s30 =	sadd.s32 s30, s20;
	v62 =	vld [tilespmem:s26+$0x410];
	[tilespmem:s31+$0x0] =	vst v57  }
0x59: {  	v63 =	vld [tilespmem:s26+$0x420];
	s24 =	sadd.s32 $0x1, s24;
	s28 =	sadd.s32 s28, s30;
	[tilespmem:s31+$0x10] =	vst v58  }
0x5a: {  	p1 =	sne.s32 s24, $0x8;
	v0 =	vld.idx.msk [tilespmem:v0+s28+$0x400 ss:$0x1], $0xffff;
	[tilespmem:s31+$0x20] =	vst v59  }
.Ltmp4:
0x5b: {  	[tilespmem:s31+$0x30] =	vst v60;
	(pc) =	sbr.rel @p1 .LBB1_3-.Ltmp4, $4  }
0x5c: {  	[tilespmem:s31+$0xFFFFFBF0] =	vst v61  }
0x5d: {  	[tilespmem:s31+$0x40] =	vst v62  }
0x5e: {  	s25 =	sadd.s32 $0x800, s25;
	s18 =	sadd.s32 $0x800, s18;
	[tilespmem:s31+$0x50] =	vst v63  }
0x5f: {  	s23 =	sadd.s32 $0x80, s23;
	p0 =	por !p0, !p0;
	s19 =	sadd.s32 $0x80, s19;
	[tilespmem:s25+$0x0] =	vst v0  }
0x60: {  	s16 =	sshll.u32 s16, $0x7;
	s18 =	sand.u32 $0x78, s14  }
0x61: {  	s15 =	sshll.u32 s15, $0x11;
	s31 =	sand.u32 $0x7, s14;
	s19 =	sand.u32 $0x380, s16  }
.Ltmp5:
0x62: {  	s16 =	sand.u32 $0x1FC00, s16;
	s18 =	sor.u32 s19, s18;
	(pc) =	sbr.rel .LBB1_7-.Ltmp5, $4  }
0x63: {  	s15 =	sadd.s32 s4, s15;
	s16 =	sadd.s32 s14, s16;
	s18 =	sshrl.u32 s18, $0x3  }
0x64: {  	s14 =	sshll.u32 s31, $0x12;
	s16 =	sand.u32 $0x1FF80, s16;
	s15 =	sadd.s32 s18, s15  }
0x65: {  	s14 =	sor.u32 $0x800, s14;
	s15 =	sadd.s32 s16, s15  }
0x66: {  	[hbm4b:s15+s14] =	stream.strided.scatter [tilespmem:s17], [sflag:$0x2], $0x4000, s8, s14, $0x38;
	[tilespmem:$0x10000] =	vst v63  }
.LBB1_8:
0x67: {  	_ =	sfence.sel $0x180000  }
0x68: {  	s2 =	simm.s32 $0x1;
	[bflag:$0x0] =	sbarrier.arrive $0xFFFF  }
0x69: {  	s31 =	simm.s32 $0x2;
	[sflag:s2] =	ssyncpa.u1 $0x1  }
0x6a: {  	[sflag:s31] =	ssyncpa.u1 $0x1  }
0x6b: {  	p0 =	sne.s32 s0, $0x0;
	_ =	strace $0x90000047  }
0x6c: {  	s0 =	sadd.s32 @!p0 $0x100000, s1;
	[bflag:$0x2] =	sbarrier.arrive $0xFFFF  }
0x6d: {  	[sflag:s0] =	ssyncadd.tile.s32 @!p0 $0x1;
	_ =	shalt  }
.Lfunc_end1:
_tile_overlayer_lowered:
.L_overlay_start_2:
0x6e: {  	(tag) =	ssettag $0x2  }
0x6f: {  	s0 =	rddreg [dreg:$0x0];
	s2 =	stileid.u32  }
0x70: {  	s1 =	rddreg [dreg:$0x1];
	p0 =	sne.s32 s2, $0x0  }
0x71: {  	s3 =	rddreg [dreg:$0x2];
	[bflag:$0x3] =	sbarrier.arrive $0xFFFF;
	s2 =	simm.s32 @!p0 $0x1C01  }
0x72: {  	[timem:s3], [sflag:s2] =	dma.local @!p0 [hbm:s0], s1  }
0x73: {  	s0 =	simm.s32 @!p0 $0x1  }
0x74: {  	_ =	swait.ge @!p0 [sflag:s0], s1  }
0x75: {  	s1 =	ssub.s32 @!p0 $0x0, s1;
	[sflag:s0] =	ssyncset.done @!p0 $0x0  }
0x76: {  	[sflag:s0] =	ssyncadd.s32 @!p0 s1  }
0x77: {  	[bflag:$0x3] =	sbarrier.arrive $0xFFFF  }
0x78: {  	_ =	shalt  }

</sc_bundles>
